<compile_context>
chip_gen: v7x
topology: tpu7x:2x2x1
jax: 0.10.2.dev20260603
libtpu: 0.0.44.dev20260713+nightly
codegen_flags: <defaults>
</compile_context>

<pallas_src>
import functools

import jax
import jax.numpy as jnp
from jax import lax
from jax.experimental import pallas as pl
from jax.experimental.pallas import tpu as pltpu

_N = 20000
_PRE_MAX = 4096
_POST_MAX = 500
_SCORE_THRESH = 0.1
_NMS_THRESH = 0.5
_B = 1024
_NB = _PRE_MAX // _B


def _pair_sup(x1r, x2r, y1r, y2r, ar, x1c, x2c, y1c, y2c, ac):
    iw = jnp.maximum(jnp.minimum(x2r, x2c) - jnp.maximum(x1r, x1c), 0.0)
    ih = jnp.maximum(jnp.minimum(y2r, y2c) - jnp.maximum(y1r, y1c), 0.0)
    inter = iw * ih
    union = ar + ac - inter
    iou = inter / jnp.maximum(union, 1e-6)
    return iou


def _nms_body(geo_r_ref, geo_c_ref, scores_ref, out_ref, keep_ref):
    scores = scores_ref[...]
    keep_ref[...] = (scores > _SCORE_THRESH).astype(jnp.float32)

    for b in range(_NB):
        r0 = b * _B
        w = _PRE_MAX - r0
        blk = geo_r_ref[r0:r0 + _B, :]
        x1r = blk[:, 0:1]
        x2r = blk[:, 1:2]
        y1r = blk[:, 2:3]
        y2r = blk[:, 3:4]
        ar = blk[:, 4:5]
        row_ids = r0 + lax.broadcasted_iota(jnp.int32, (_B, 1), 0)
        col_ids = r0 + lax.broadcasted_iota(jnp.int32, (1, w), 1)
        iou = _pair_sup(
            x1r, x2r, y1r, y2r, ar,
            geo_c_ref[0:1, r0:], geo_c_ref[1:2, r0:], geo_c_ref[2:3, r0:],
            geo_c_ref[3:4, r0:], geo_c_ref[4:5, r0:])
        sup = ((iou > _NMS_THRESH) & (row_ids < col_ids)).astype(jnp.float32)
        sup_intra = sup[:, 0:_B]

        kb0 = keep_ref[0:1, r0:r0 + _B]

        def fp_cond(c):
            return c[1]

        def fp_body(c, kb0=kb0, sup_intra=sup_intra):
            kb, _ = c
            hit = lax.dot_general(
                kb, sup_intra, (((1,), (0,)), ((), ())),
                preferred_element_type=jnp.float32)
            kb_new = kb0 * (hit < 0.5).astype(jnp.float32)
            return kb_new, jnp.any(kb_new != kb)

        kb, _ = lax.while_loop(fp_cond, fp_body, (kb0, True))

        hit_all = lax.dot_general(
            kb, sup, (((1,), (0,)), ((), ())),
            preferred_element_type=jnp.float32)
        keep_ref[0:1, r0:] = keep_ref[0:1, r0:] * (
            hit_all < 0.5).astype(jnp.float32)

    out_ref[...] = jnp.where(keep_ref[...] > 0.0, scores, -1.0)


@functools.partial(jax.jit)
def kernel(box_preds, cls_preds):
    rank_scores = jnp.max(cls_preds, axis=-1)
    normalized_scores = jax.nn.sigmoid(rank_scores)
    top_scores, top_idx = lax.top_k(normalized_scores, _PRE_MAX)
    top_boxes = box_preds[top_idx]

    b = lax.stop_gradient(top_boxes)
    c = jnp.abs(jnp.cos(b[:, 6]))
    s = jnp.abs(jnp.sin(b[:, 6]))
    hx = 0.5 * (jnp.abs(b[:, 3]) * c + jnp.abs(b[:, 4]) * s)
    hy = 0.5 * (jnp.abs(b[:, 3]) * s + jnp.abs(b[:, 4]) * c)
    x1 = b[:, 0] - hx
    x2 = b[:, 0] + hx
    y1 = b[:, 1] - hy
    y2 = b[:, 1] + hy
    area = (x2 - x1) * (y2 - y1)
    zeros = jnp.zeros_like(x1)
    geo_c = jnp.stack([x1, x2, y1, y2, area, zeros, zeros, zeros], axis=0)
    geo_r = geo_c.T

    sel_scores = pl.pallas_call(
        _nms_body,
        out_shape=jax.ShapeDtypeStruct((1, _PRE_MAX), jnp.float32),
        scratch_shapes=[pltpu.VMEM((1, _PRE_MAX), jnp.float32)],
    )(geo_r, geo_c, top_scores[None, :])[0]

    final_scores, sel = lax.top_k(sel_scores, _POST_MAX)
    final_boxes = top_boxes[sel]
    return jnp.concatenate([final_boxes, final_scores[:, None]], axis=-1)

# --- scband reference (transcript-rebuilt; emitter-appended) ---
"""Pipeline reference for scband-detector3-d-16355235463874 (READ-ONLY COPY).

The authoritative reference and input builder live on the scoring server;
editing this copy changes nothing except your own understanding.
"""

import jax, jax.numpy as jnp
import numpy as np

N = 20000
NUM_CLASS = 3
PRE_MAX = 4096
POST_MAX = 500
SCORE_THRESH = 0.1
NMS_THRESH = 0.5


def setup_inputs(seed: int = 0) -> dict:
    key = jax.random.key(seed)
    k1, k2, k3, k4 = jax.random.split(key, 4)
    centers = jax.random.uniform(k1, (N, 3), minval=-40.0, maxval=40.0)
    dims = jax.random.uniform(k2, (N, 3), minval=0.5, maxval=4.0)
    ry = jax.random.uniform(k3, (N, 1), minval=-np.pi, maxval=np.pi)
    box_preds = jnp.concatenate([centers, dims, ry], axis=-1).astype(jnp.float32)
    cls_preds = jax.random.normal(k4, (N, NUM_CLASS), dtype=jnp.float32)
    return {"box_preds": box_preds, "cls_preds": cls_preds}


def _bev_iou_matrix(boxes):
    # boxes: (M, 7) [x, y, z, dx, dy, dz, ry] -> axis-aligned enclosing BEV IoU
    c = jnp.abs(jnp.cos(boxes[:, 6]))
    s = jnp.abs(jnp.sin(boxes[:, 6]))
    hx = 0.5 * (jnp.abs(boxes[:, 3]) * c + jnp.abs(boxes[:, 4]) * s)
    hy = 0.5 * (jnp.abs(boxes[:, 3]) * s + jnp.abs(boxes[:, 4]) * c)
    x1 = boxes[:, 0] - hx
    x2 = boxes[:, 0] + hx
    y1 = boxes[:, 1] - hy
    y2 = boxes[:, 1] + hy
    area = (x2 - x1) * (y2 - y1)
    iw = jnp.maximum(jnp.minimum(x2[:, None], x2[None, :]) - jnp.maximum(x1[:, None], x1[None, :]), 0.0)
    ih = jnp.maximum(jnp.minimum(y2[:, None], y2[None, :]) - jnp.maximum(y1[:, None], y1[None, :]), 0.0)
    inter = iw * ih
    union = area[:, None] + area[None, :] - inter
    return inter / jnp.maximum(union, 1e-6)


def reference(box_preds, cls_preds):
    # class-agnostic NMS path of Detector3D.post_processing
    rank_scores = jnp.max(cls_preds, axis=-1)
    normalized_scores = jax.nn.sigmoid(rank_scores)
    # pre-NMS top-k by normalized score
    order = jnp.argsort(-normalized_scores)
    top_idx = order[:PRE_MAX]
    top_scores = normalized_scores[top_idx]
    top_boxes = box_preds[top_idx]
    # pairwise BEV IoU (compute-heavy: PRE_MAX x PRE_MAX)
    iou = _bev_iou_matrix(jax.lax.stop_gradient(top_boxes))
    suppress = iou > NMS_THRESH
    valid = jax.lax.stop_gradient(top_scores) > SCORE_THRESH
    idxs = jnp.arange(PRE_MAX)

    def body(i, keep):
        cur = keep[i] & valid[i]
        row = suppress[i] & (idxs > i)
        return jnp.where(cur, keep & (~row), keep)

    keep = jax.lax.fori_loop(0, PRE_MAX, body, valid)
    sel_scores = jnp.where(keep, top_scores, -1.0)
    final_scores, sel = jax.lax.top_k(sel_scores, POST_MAX)
    final_boxes = top_boxes[sel]
    # fixed-size output: [POST_MAX, 8] = boxes(7) + score(1); unkept slots have score -1
    return jnp.concatenate([final_boxes, final_scores[:, None]], axis=-1)

if __name__ == "__main__":
    import jax
    _d = setup_inputs()
    print(jax.jit(kernel)(*tuple(_d.values())))

</pallas_src>

<mosaic_0001>
module attributes {stable_mosaic.version = 14 : i64} {
  func.func @_nms_body(%arg0: memref<4096x8xf32, #tpu.memory_space<vmem>>, %arg1: memref<8x4096xf32, #tpu.memory_space<vmem>>, %arg2: memref<1x4096xf32, #tpu.memory_space<vmem>>, %arg3: memref<1x4096xf32, #tpu.memory_space<vmem>>, %arg4: memref<1x4096xf32, #tpu.memory_space<vmem>>) attributes {dimension_semantics = [], scalar_prefetch = 0 : i64, scratch_operands = 1 : i64, tpu.core_type = #tpu.core_type<tc>} {
    %get3A = arith.constant 0 : index
    %get3A_0 = arith.constant 0 : index
    %get3A_1 = vector.load %arg2[%get3A, %get3A_0] : memref<1x4096xf32, #tpu.memory_space<vmem>>, vector<1x4096xf32>
    %gt3A = arith.constant 1.000000e-01 : f32
    %gt3A_2 = vector.broadcast %gt3A : f32 to vector<1x4096xf32>
    %gt3A_3 = arith.cmpf ogt, %get3A_1, %gt3A_2 : vector<1x4096xf32>
    %convert_element_type3A = arith.extui %gt3A_3 : vector<1x4096xi1> to vector<1x4096xi32>
    %convert_element_type3A_4 = arith.sitofp %convert_element_type3A : vector<1x4096xi32> to vector<1x4096xf32>
    %swap3A = arith.constant 0 : index
    %swap3A_5 = arith.constant 0 : index
    %swap3A_6 = vector.load %arg4[%swap3A, %swap3A_5] : memref<1x4096xf32, #tpu.memory_space<vmem>>, vector<1x4096xf32>
    tpu.vector_store %arg4[%swap3A, %swap3A_5], %convert_element_type3A_4 {strides = array<i32>} : memref<1x4096xf32, #tpu.memory_space<vmem>>, vector<1x4096xf32>,
    %get3A_7 = arith.constant 0 : index
    %get3A_8 = arith.constant 0 : index
    %get3A_9 = vector.load %arg0[%get3A_7, %get3A_8] : memref<4096x8xf32, #tpu.memory_space<vmem>>, vector<1024x8xf32>
    %slice3A = vector.extract_strided_slice %get3A_9 {offsets = [0, 0], sizes = [1024, 1], strides = [1, 1]} : vector<1024x8xf32> to vector<1024x1xf32>
    %slice3A_10 = vector.extract_strided_slice %get3A_9 {offsets = [0, 1], sizes = [1024, 1], strides = [1, 1]} : vector<1024x8xf32> to vector<1024x1xf32>
    %slice3A_11 = vector.extract_strided_slice %get3A_9 {offsets = [0, 2], sizes = [1024, 1], strides = [1, 1]} : vector<1024x8xf32> to vector<1024x1xf32>
    %slice3A_12 = vector.extract_strided_slice %get3A_9 {offsets = [0, 3], sizes = [1024, 1], strides = [1, 1]} : vector<1024x8xf32> to vector<1024x1xf32>
    %slice3A_13 = vector.extract_strided_slice %get3A_9 {offsets = [0, 4], sizes = [1024, 1], strides = [1, 1]} : vector<1024x8xf32> to vector<1024x1xf32>
    %iota3A = tpu.iota {dimensions = array<i32: 0>} : vector<1024x1xi32>
    %add3A = arith.constant 0 : i32
    %add3A_14 = vector.broadcast %add3A : i32 to vector<1024x1xi32>
    %add3A_15 = arith.addi %add3A_14, %iota3A : vector<1024x1xi32>
    %iota3A_16 = tpu.iota {dimensions = array<i32: 1>} : vector<1x4096xi32>
    %add3A_17 = arith.constant 0 : i32
    %add3A_18 = vector.broadcast %add3A_17 : i32 to vector<1x4096xi32>
    %add3A_19 = arith.addi %add3A_18, %iota3A_16 : vector<1x4096xi32>
    %get3A_20 = arith.constant 0 : index
    %get3A_21 = arith.constant 0 : index
    %get3A_22 = vector.load %arg1[%get3A_20, %get3A_21] : memref<8x4096xf32, #tpu.memory_space<vmem>>, vector<1x4096xf32>
    %get3A_23 = arith.constant 1 : index
    %get3A_24 = arith.constant 0 : index
    %get3A_25 = vector.load %arg1[%get3A_23, %get3A_24] : memref<8x4096xf32, #tpu.memory_space<vmem>>, vector<1x4096xf32>
    %get3A_26 = arith.constant 2 : index
    %get3A_27 = arith.constant 0 : index
    %get3A_28 = vector.load %arg1[%get3A_26, %get3A_27] : memref<8x4096xf32, #tpu.memory_space<vmem>>, vector<1x4096xf32>
    %get3A_29 = arith.constant 3 : index
    %get3A_30 = arith.constant 0 : index
    %get3A_31 = vector.load %arg1[%get3A_29, %get3A_30] : memref<8x4096xf32, #tpu.memory_space<vmem>>, vector<1x4096xf32>
    %get3A_32 = arith.constant 4 : index
    %get3A_33 = arith.constant 0 : index
    %get3A_34 = vector.load %arg1[%get3A_32, %get3A_33] : memref<8x4096xf32, #tpu.memory_space<vmem>>, vector<1x4096xf32>
    %min3A = vector.broadcast %slice3A_10 : vector<1024x1xf32> to vector<1024x4096xf32>
    %min3A_35 = vector.broadcast %get3A_25 : vector<1x4096xf32> to vector<1024x4096xf32>
    %min3A_36 = arith.minimumf %min3A, %min3A_35 : vector<1024x4096xf32>
    %max3A = vector.broadcast %slice3A : vector<1024x1xf32> to vector<1024x4096xf32>
    %max3A_37 = vector.broadcast %get3A_22 : vector<1x4096xf32> to vector<1024x4096xf32>
    %max3A_38 = arith.maximumf %max3A, %max3A_37 : vector<1024x4096xf32>
    %sub3A = arith.subf %min3A_36, %max3A_38 : vector<1024x4096xf32>
    %max3A_39 = arith.constant 0.000000e+00 : f32
    %max3A_40 = vector.broadcast %max3A_39 : f32 to vector<1024x4096xf32>
    %max3A_41 = arith.maximumf %sub3A, %max3A_40 : vector<1024x4096xf32>
    %min3A_42 = vector.broadcast %slice3A_12 : vector<1024x1xf32> to vector<1024x4096xf32>
    %min3A_43 = vector.broadcast %get3A_31 : vector<1x4096xf32> to vector<1024x4096xf32>
    %min3A_44 = arith.minimumf %min3A_42, %min3A_43 : vector<1024x4096xf32>
    %max3A_45 = vector.broadcast %slice3A_11 : vector<1024x1xf32> to vector<1024x4096xf32>
    %max3A_46 = vector.broadcast %get3A_28 : vector<1x4096xf32> to vector<1024x4096xf32>
    %max3A_47 = arith.maximumf %max3A_45, %max3A_46 : vector<1024x4096xf32>
    %sub3A_48 = arith.subf %min3A_44, %max3A_47 : vector<1024x4096xf32>
    %max3A_49 = arith.constant 0.000000e+00 : f32
    %max3A_50 = vector.broadcast %max3A_49 : f32 to vector<1024x4096xf32>
    %max3A_51 = arith.maximumf %sub3A_48, %max3A_50 : vector<1024x4096xf32>
    %mul3A = arith.mulf %max3A_41, %max3A_51 : vector<1024x4096xf32>
    %add3A_52 = vector.broadcast %slice3A_13 : vector<1024x1xf32> to vector<1024x4096xf32>
    %add3A_53 = vector.broadcast %get3A_34 : vector<1x4096xf32> to vector<1024x4096xf32>
    %add3A_54 = arith.addf %add3A_52, %add3A_53 : vector<1024x4096xf32>
    %sub3A_55 = arith.subf %add3A_54, %mul3A : vector<1024x4096xf32>
    %max3A_56 = arith.constant 9.99999997E-7 : f32
    %max3A_57 = vector.broadcast %max3A_56 : f32 to vector<1024x4096xf32>
    %max3A_58 = arith.maximumf %sub3A_55, %max3A_57 : vector<1024x4096xf32>
    %div3A = arith.divf %mul3A, %max3A_58 : vector<1024x4096xf32>
    %gt3A_59 = arith.constant 5.000000e-01 : f32
    %gt3A_60 = vector.broadcast %gt3A_59 : f32 to vector<1024x4096xf32>
    %gt3A_61 = arith.cmpf ogt, %div3A, %gt3A_60 : vector<1024x4096xf32>
    %lt3A = vector.broadcast %add3A_15 : vector<1024x1xi32> to vector<1024x4096xi32>
    %lt3A_62 = vector.broadcast %add3A_19 : vector<1x4096xi32> to vector<1024x4096xi32>
    %lt3A_63 = arith.cmpi slt, %lt3A, %lt3A_62 : vector<1024x4096xi32>
    %and3A = arith.andi %gt3A_61, %lt3A_63 : vector<1024x4096xi1>
    %convert_element_type3A_64 = arith.extui %and3A : vector<1024x4096xi1> to vector<1024x4096xi32>
    %convert_element_type3A_65 = arith.sitofp %convert_element_type3A_64 : vector<1024x4096xi32> to vector<1024x4096xf32>
    %slice3A_66 = vector.extract_strided_slice %convert_element_type3A_65 {offsets = [0, 0], sizes = [1024, 1024], strides = [1, 1]} : vector<1024x4096xf32> to vector<1024x1024xf32>
    %get3A_67 = arith.constant 0 : index
    %get3A_68 = arith.constant 0 : index
    %get3A_69 = vector.load %arg4[%get3A_67, %get3A_68] : memref<1x4096xf32, #tpu.memory_space<vmem>>, vector<1x1024xf32>
    %while3A = arith.constant true
    %while3A_70:2 = scf.while (%while3A_359 = %get3A_69, %while3A_360 = %while3A) : (vector<1x1024xf32>, i1) -> (vector<1x1024xf32>, i1) {
      scf.condition(%while3A_360) %while3A_359, %while3A_360 : vector<1x1024xf32>, i1
    } do {
    ^bb0(%while3A_359: vector<1x1024xf32>, %while3A_360: i1):
      %dot_general3A_361 = arith.constant dense<0.000000e+00> : vector<1x1024xf32>
      %dot_general3A_362 = tpu.matmul %while3A_359, %slice3A_66, %dot_general3A_361 {dimension_numbers = #tpu.dot_dimension_numbers<[1], [0], [0], [1], [0, 0, 1, 1], [], []>, transpose_lhs_hint = false} : vector<1x1024xf32>, vector<1024x1024xf32>, vector<1x1024xf32> -> vector<1x1024xf32>
      %lt3A_363 = arith.constant 5.000000e-01 : f32
      %lt3A_364 = vector.broadcast %lt3A_363 : f32 to vector<1x1024xf32>
      %lt3A_365 = arith.cmpf olt, %dot_general3A_362, %lt3A_364 : vector<1x1024xf32>
      %convert_element_type3A_366 = arith.extui %lt3A_365 : vector<1x1024xi1> to vector<1x1024xi32>
      %convert_element_type3A_367 = arith.sitofp %convert_element_type3A_366 : vector<1x1024xi32> to vector<1x1024xf32>
      %mul3A_368 = arith.mulf %get3A_69, %convert_element_type3A_367 : vector<1x1024xf32>
      %ne3A = arith.cmpf one, %mul3A_368, %while3A_359 : vector<1x1024xf32>
      %reduce_or3A = arith.constant 1.000000e+00 : f32
      %reduce_or3A_369 = arith.constant 0.000000e+00 : f32
      %reduce_or3A_370 = vector.broadcast %reduce_or3A : f32 to vector<1x1024xf32>
      %reduce_or3A_371 = vector.broadcast %reduce_or3A_369 : f32 to vector<1x1024xf32>
      %reduce_or3A_372 = arith.select %ne3A, %reduce_or3A_370, %reduce_or3A_371 : vector<1x1024xi1>, vector<1x1024xf32>
      %reduce_or3A_373 = vector.shape_cast %reduce_or3A_372 : vector<1x1024xf32> to vector<1x1x1024xf32>
      %reduce_or3A_374 = arith.constant dense<0xFF800000> : vector<1xf32>
      %reduce_or3A_375 = vector.multi_reduction <maximumf>, %reduce_or3A_373, %reduce_or3A_374 [1, 2] : vector<1x1x1024xf32> to vector<1xf32>
      %reduce_or3A_376 = vector.shape_cast %reduce_or3A_375 : vector<1xf32> to vector<1x1x1xf32>
      %reduce_or3A_377 = vector.extract %reduce_or3A_376[0, 0, 0] : f32 from vector<1x1x1xf32>
      %reduce_or3A_378 = arith.constant 0.000000e+00 : f32
      %reduce_or3A_379 = arith.cmpf ogt, %reduce_or3A_377, %reduce_or3A_378 : f32
      scf.yield %mul3A_368, %reduce_or3A_379 : vector<1x1024xf32>, i1
    }
    %dot_general3A = arith.constant dense<0.000000e+00> : vector<1x4096xf32>
    %dot_general3A_71 = tpu.matmul %while3A_70#0, %convert_element_type3A_65, %dot_general3A {dimension_numbers = #tpu.dot_dimension_numbers<[1], [0], [0], [1], [0, 0, 1, 1], [], []>, transpose_lhs_hint = false} : vector<1x1024xf32>, vector<1024x4096xf32>, vector<1x4096xf32> -> vector<1x4096xf32>
    %get3A_72 = arith.constant 0 : index
    %get3A_73 = arith.constant 0 : index
    %get3A_74 = vector.load %arg4[%get3A_72, %get3A_73] : memref<1x4096xf32, #tpu.memory_space<vmem>>, vector<1x4096xf32>
    %lt3A_75 = arith.constant 5.000000e-01 : f32
    %lt3A_76 = vector.broadcast %lt3A_75 : f32 to vector<1x4096xf32>
    %lt3A_77 = arith.cmpf olt, %dot_general3A_71, %lt3A_76 : vector<1x4096xf32>
    %convert_element_type3A_78 = arith.extui %lt3A_77 : vector<1x4096xi1> to vector<1x4096xi32>
    %convert_element_type3A_79 = arith.sitofp %convert_element_type3A_78 : vector<1x4096xi32> to vector<1x4096xf32>
    %mul3A_80 = arith.mulf %get3A_74, %convert_element_type3A_79 : vector<1x4096xf32>
    %swap3A_81 = arith.constant 0 : index
    %swap3A_82 = arith.constant 0 : index
    %swap3A_83 = vector.load %arg4[%swap3A_81, %swap3A_82] : memref<1x4096xf32, #tpu.memory_space<vmem>>, vector<1x4096xf32>
    tpu.vector_store %arg4[%swap3A_81, %swap3A_82], %mul3A_80 {strides = array<i32>} : memref<1x4096xf32, #tpu.memory_space<vmem>>, vector<1x4096xf32>,
    %get3A_84 = arith.constant 1024 : index
    %get3A_85 = arith.constant 0 : index
    %get3A_86 = vector.load %arg0[%get3A_84, %get3A_85] : memref<4096x8xf32, #tpu.memory_space<vmem>>, vector<1024x8xf32>
    %slice3A_87 = vector.extract_strided_slice %get3A_86 {offsets = [0, 0], sizes = [1024, 1], strides = [1, 1]} : vector<1024x8xf32> to vector<1024x1xf32>
    %slice3A_88 = vector.extract_strided_slice %get3A_86 {offsets = [0, 1], sizes = [1024, 1], strides = [1, 1]} : vector<1024x8xf32> to vector<1024x1xf32>
    %slice3A_89 = vector.extract_strided_slice %get3A_86 {offsets = [0, 2], sizes = [1024, 1], strides = [1, 1]} : vector<1024x8xf32> to vector<1024x1xf32>
    %slice3A_90 = vector.extract_strided_slice %get3A_86 {offsets = [0, 3], sizes = [1024, 1], strides = [1, 1]} : vector<1024x8xf32> to vector<1024x1xf32>
    %slice3A_91 = vector.extract_strided_slice %get3A_86 {offsets = [0, 4], sizes = [1024, 1], strides = [1, 1]} : vector<1024x8xf32> to vector<1024x1xf32>
    %iota3A_92 = tpu.iota {dimensions = array<i32: 0>} : vector<1024x1xi32>
    %add3A_93 = arith.constant 1024 : i32
    %add3A_94 = vector.broadcast %add3A_93 : i32 to vector<1024x1xi32>
    %add3A_95 = arith.addi %add3A_94, %iota3A_92 : vector<1024x1xi32>
    %iota3A_96 = tpu.iota {dimensions = array<i32: 1>} : vector<1x3072xi32>
    %add3A_97 = arith.constant 1024 : i32
    %add3A_98 = vector.broadcast %add3A_97 : i32 to vector<1x3072xi32>
    %add3A_99 = arith.addi %add3A_98, %iota3A_96 : vector<1x3072xi32>
    %get3A_100 = arith.constant 0 : index
    %get3A_101 = arith.constant 1024 : index
    %get3A_102 = vector.load %arg1[%get3A_100, %get3A_101] : memref<8x4096xf32, #tpu.memory_space<vmem>>, vector<1x3072xf32>
    %get3A_103 = arith.constant 1 : index
    %get3A_104 = arith.constant 1024 : index
    %get3A_105 = vector.load %arg1[%get3A_103, %get3A_104] : memref<8x4096xf32, #tpu.memory_space<vmem>>, vector<1x3072xf32>
    %get3A_106 = arith.constant 2 : index
    %get3A_107 = arith.constant 1024 : index
    %get3A_108 = vector.load %arg1[%get3A_106, %get3A_107] : memref<8x4096xf32, #tpu.memory_space<vmem>>, vector<1x3072xf32>
    %get3A_109 = arith.constant 3 : index
    %get3A_110 = arith.constant 1024 : index
    %get3A_111 = vector.load %arg1[%get3A_109, %get3A_110] : memref<8x4096xf32, #tpu.memory_space<vmem>>, vector<1x3072xf32>
    %get3A_112 = arith.constant 4 : index
    %get3A_113 = arith.constant 1024 : index
    %get3A_114 = vector.load %arg1[%get3A_112, %get3A_113] : memref<8x4096xf32, #tpu.memory_space<vmem>>, vector<1x3072xf32>
    %min3A_115 = vector.broadcast %slice3A_88 : vector<1024x1xf32> to vector<1024x3072xf32>
    %min3A_116 = vector.broadcast %get3A_105 : vector<1x3072xf32> to vector<1024x3072xf32>
    %min3A_117 = arith.minimumf %min3A_115, %min3A_116 : vector<1024x3072xf32>
    %max3A_118 = vector.broadcast %slice3A_87 : vector<1024x1xf32> to vector<1024x3072xf32>
    %max3A_119 = vector.broadcast %get3A_102 : vector<1x3072xf32> to vector<1024x3072xf32>
    %max3A_120 = arith.maximumf %max3A_118, %max3A_119 : vector<1024x3072xf32>
    %sub3A_121 = arith.subf %min3A_117, %max3A_120 : vector<1024x3072xf32>
    %max3A_122 = arith.constant 0.000000e+00 : f32
    %max3A_123 = vector.broadcast %max3A_122 : f32 to vector<1024x3072xf32>
    %max3A_124 = arith.maximumf %sub3A_121, %max3A_123 : vector<1024x3072xf32>
    %min3A_125 = vector.broadcast %slice3A_90 : vector<1024x1xf32> to vector<1024x3072xf32>
    %min3A_126 = vector.broadcast %get3A_111 : vector<1x3072xf32> to vector<1024x3072xf32>
    %min3A_127 = arith.minimumf %min3A_125, %min3A_126 : vector<1024x3072xf32>
    %max3A_128 = vector.broadcast %slice3A_89 : vector<1024x1xf32> to vector<1024x3072xf32>
    %max3A_129 = vector.broadcast %get3A_108 : vector<1x3072xf32> to vector<1024x3072xf32>
    %max3A_130 = arith.maximumf %max3A_128, %max3A_129 : vector<1024x3072xf32>
    %sub3A_131 = arith.subf %min3A_127, %max3A_130 : vector<1024x3072xf32>
    %max3A_132 = arith.constant 0.000000e+00 : f32
    %max3A_133 = vector.broadcast %max3A_132 : f32 to vector<1024x3072xf32>
    %max3A_134 = arith.maximumf %sub3A_131, %max3A_133 : vector<1024x3072xf32>
    %mul3A_135 = arith.mulf %max3A_124, %max3A_134 : vector<1024x3072xf32>
    %add3A_136 = vector.broadcast %slice3A_91 : vector<1024x1xf32> to vector<1024x3072xf32>
    %add3A_137 = vector.broadcast %get3A_114 : vector<1x3072xf32> to vector<1024x3072xf32>
    %add3A_138 = arith.addf %add3A_136, %add3A_137 : vector<1024x3072xf32>
    %sub3A_139 = arith.subf %add3A_138, %mul3A_135 : vector<1024x3072xf32>
    %max3A_140 = arith.constant 9.99999997E-7 : f32
    %max3A_141 = vector.broadcast %max3A_140 : f32 to vector<1024x3072xf32>
    %max3A_142 = arith.maximumf %sub3A_139, %max3A_141 : vector<1024x3072xf32>
    %div3A_143 = arith.divf %mul3A_135, %max3A_142 : vector<1024x3072xf32>
    %gt3A_144 = arith.constant 5.000000e-01 : f32
    %gt3A_145 = vector.broadcast %gt3A_144 : f32 to vector<1024x3072xf32>
    %gt3A_146 = arith.cmpf ogt, %div3A_143, %gt3A_145 : vector<1024x3072xf32>
    %lt3A_147 = vector.broadcast %add3A_95 : vector<1024x1xi32> to vector<1024x3072xi32>
    %lt3A_148 = vector.broadcast %add3A_99 : vector<1x3072xi32> to vector<1024x3072xi32>
    %lt3A_149 = arith.cmpi slt, %lt3A_147, %lt3A_148 : vector<1024x3072xi32>
    %and3A_150 = arith.andi %gt3A_146, %lt3A_149 : vector<1024x3072xi1>
    %convert_element_type3A_151 = arith.extui %and3A_150 : vector<1024x3072xi1> to vector<1024x3072xi32>
    %convert_element_type3A_152 = arith.sitofp %convert_element_type3A_151 : vector<1024x3072xi32> to vector<1024x3072xf32>
    %slice3A_153 = vector.extract_strided_slice %convert_element_type3A_152 {offsets = [0, 0], sizes = [1024, 1024], strides = [1, 1]} : vector<1024x3072xf32> to vector<1024x1024xf32>
    %get3A_154 = arith.constant 0 : index
    %get3A_155 = arith.constant 1024 : index
    %get3A_156 = vector.load %arg4[%get3A_154, %get3A_155] : memref<1x4096xf32, #tpu.memory_space<vmem>>, vector<1x1024xf32>
    %while3A_157 = arith.constant true
    %while3A_158:2 = scf.while (%while3A_359 = %get3A_156, %while3A_360 = %while3A_157) : (vector<1x1024xf32>, i1) -> (vector<1x1024xf32>, i1) {
      scf.condition(%while3A_360) %while3A_359, %while3A_360 : vector<1x1024xf32>, i1
    } do {
    ^bb0(%while3A_359: vector<1x1024xf32>, %while3A_360: i1):
      %dot_general3A_361 = arith.constant dense<0.000000e+00> : vector<1x1024xf32>
      %dot_general3A_362 = tpu.matmul %while3A_359, %slice3A_153, %dot_general3A_361 {dimension_numbers = #tpu.dot_dimension_numbers<[1], [0], [0], [1], [0, 0, 1, 1], [], []>, transpose_lhs_hint = false} : vector<1x1024xf32>, vector<1024x1024xf32>, vector<1x1024xf32> -> vector<1x1024xf32>
      %lt3A_363 = arith.constant 5.000000e-01 : f32
      %lt3A_364 = vector.broadcast %lt3A_363 : f32 to vector<1x1024xf32>
      %lt3A_365 = arith.cmpf olt, %dot_general3A_362, %lt3A_364 : vector<1x1024xf32>
      %convert_element_type3A_366 = arith.extui %lt3A_365 : vector<1x1024xi1> to vector<1x1024xi32>
      %convert_element_type3A_367 = arith.sitofp %convert_element_type3A_366 : vector<1x1024xi32> to vector<1x1024xf32>
      %mul3A_368 = arith.mulf %get3A_156, %convert_element_type3A_367 : vector<1x1024xf32>
      %ne3A = arith.cmpf one, %mul3A_368, %while3A_359 : vector<1x1024xf32>
      %reduce_or3A = arith.constant 1.000000e+00 : f32
      %reduce_or3A_369 = arith.constant 0.000000e+00 : f32
      %reduce_or3A_370 = vector.broadcast %reduce_or3A : f32 to vector<1x1024xf32>
      %reduce_or3A_371 = vector.broadcast %reduce_or3A_369 : f32 to vector<1x1024xf32>
      %reduce_or3A_372 = arith.select %ne3A, %reduce_or3A_370, %reduce_or3A_371 : vector<1x1024xi1>, vector<1x1024xf32>
      %reduce_or3A_373 = vector.shape_cast %reduce_or3A_372 : vector<1x1024xf32> to vector<1x1x1024xf32>
      %reduce_or3A_374 = arith.constant dense<0xFF800000> : vector<1xf32>
      %reduce_or3A_375 = vector.multi_reduction <maximumf>, %reduce_or3A_373, %reduce_or3A_374 [1, 2] : vector<1x1x1024xf32> to vector<1xf32>
      %reduce_or3A_376 = vector.shape_cast %reduce_or3A_375 : vector<1xf32> to vector<1x1x1xf32>
      %reduce_or3A_377 = vector.extract %reduce_or3A_376[0, 0, 0] : f32 from vector<1x1x1xf32>
      %reduce_or3A_378 = arith.constant 0.000000e+00 : f32
      %reduce_or3A_379 = arith.cmpf ogt, %reduce_or3A_377, %reduce_or3A_378 : f32
      scf.yield %mul3A_368, %reduce_or3A_379 : vector<1x1024xf32>, i1
    }
    %dot_general3A_159 = arith.constant dense<0.000000e+00> : vector<1x3072xf32>
    %dot_general3A_160 = tpu.matmul %while3A_158#0, %convert_element_type3A_152, %dot_general3A_159 {dimension_numbers = #tpu.dot_dimension_numbers<[1], [0], [0], [1], [0, 0, 1, 1], [], []>, transpose_lhs_hint = false} : vector<1x1024xf32>, vector<1024x3072xf32>, vector<1x3072xf32> -> vector<1x3072xf32>
    %get3A_161 = arith.constant 0 : index
    %get3A_162 = arith.constant 1024 : index
    %get3A_163 = vector.load %arg4[%get3A_161, %get3A_162] : memref<1x4096xf32, #tpu.memory_space<vmem>>, vector<1x3072xf32>
    %lt3A_164 = arith.constant 5.000000e-01 : f32
    %lt3A_165 = vector.broadcast %lt3A_164 : f32 to vector<1x3072xf32>
    %lt3A_166 = arith.cmpf olt, %dot_general3A_160, %lt3A_165 : vector<1x3072xf32>
    %convert_element_type3A_167 = arith.extui %lt3A_166 : vector<1x3072xi1> to vector<1x3072xi32>
    %convert_element_type3A_168 = arith.sitofp %convert_element_type3A_167 : vector<1x3072xi32> to vector<1x3072xf32>
    %mul3A_169 = arith.mulf %get3A_163, %convert_element_type3A_168 : vector<1x3072xf32>
    %swap3A_170 = arith.constant 0 : index
    %swap3A_171 = arith.constant 1024 : index
    %swap3A_172 = vector.load %arg4[%swap3A_170, %swap3A_171] : memref<1x4096xf32, #tpu.memory_space<vmem>>, vector<1x3072xf32>
    tpu.vector_store %arg4[%swap3A_170, %swap3A_171], %mul3A_169 {strides = array<i32>} : memref<1x4096xf32, #tpu.memory_space<vmem>>, vector<1x3072xf32>,
    %get3A_173 = arith.constant 2048 : index
    %get3A_174 = arith.constant 0 : index
    %get3A_175 = vector.load %arg0[%get3A_173, %get3A_174] : memref<4096x8xf32, #tpu.memory_space<vmem>>, vector<1024x8xf32>
    %slice3A_176 = vector.extract_strided_slice %get3A_175 {offsets = [0, 0], sizes = [1024, 1], strides = [1, 1]} : vector<1024x8xf32> to vector<1024x1xf32>
    %slice3A_177 = vector.extract_strided_slice %get3A_175 {offsets = [0, 1], sizes = [1024, 1], strides = [1, 1]} : vector<1024x8xf32> to vector<1024x1xf32>
    %slice3A_178 = vector.extract_strided_slice %get3A_175 {offsets = [0, 2], sizes = [1024, 1], strides = [1, 1]} : vector<1024x8xf32> to vector<1024x1xf32>
    %slice3A_179 = vector.extract_strided_slice %get3A_175 {offsets = [0, 3], sizes = [1024, 1], strides = [1, 1]} : vector<1024x8xf32> to vector<1024x1xf32>
    %slice3A_180 = vector.extract_strided_slice %get3A_175 {offsets = [0, 4], sizes = [1024, 1], strides = [1, 1]} : vector<1024x8xf32> to vector<1024x1xf32>
    %iota3A_181 = tpu.iota {dimensions = array<i32: 0>} : vector<1024x1xi32>
    %add3A_182 = arith.constant 2048 : i32
    %add3A_183 = vector.broadcast %add3A_182 : i32 to vector<1024x1xi32>
    %add3A_184 = arith.addi %add3A_183, %iota3A_181 : vector<1024x1xi32>
    %iota3A_185 = tpu.iota {dimensions = array<i32: 1>} : vector<1x2048xi32>
    %add3A_186 = arith.constant 2048 : i32
    %add3A_187 = vector.broadcast %add3A_186 : i32 to vector<1x2048xi32>
    %add3A_188 = arith.addi %add3A_187, %iota3A_185 : vector<1x2048xi32>
    %get3A_189 = arith.constant 0 : index
    %get3A_190 = arith.constant 2048 : index
    %get3A_191 = vector.load %arg1[%get3A_189, %get3A_190] : memref<8x4096xf32, #tpu.memory_space<vmem>>, vector<1x2048xf32>
    %get3A_192 = arith.constant 1 : index
    %get3A_193 = arith.constant 2048 : index
    %get3A_194 = vector.load %arg1[%get3A_192, %get3A_193] : memref<8x4096xf32, #tpu.memory_space<vmem>>, vector<1x2048xf32>
    %get3A_195 = arith.constant 2 : index
    %get3A_196 = arith.constant 2048 : index
    %get3A_197 = vector.load %arg1[%get3A_195, %get3A_196] : memref<8x4096xf32, #tpu.memory_space<vmem>>, vector<1x2048xf32>
    %get3A_198 = arith.constant 3 : index
    %get3A_199 = arith.constant 2048 : index
    %get3A_200 = vector.load %arg1[%get3A_198, %get3A_199] : memref<8x4096xf32, #tpu.memory_space<vmem>>, vector<1x2048xf32>
    %get3A_201 = arith.constant 4 : index
    %get3A_202 = arith.constant 2048 : index
    %get3A_203 = vector.load %arg1[%get3A_201, %get3A_202] : memref<8x4096xf32, #tpu.memory_space<vmem>>, vector<1x2048xf32>
    %min3A_204 = vector.broadcast %slice3A_177 : vector<1024x1xf32> to vector<1024x2048xf32>
    %min3A_205 = vector.broadcast %get3A_194 : vector<1x2048xf32> to vector<1024x2048xf32>
    %min3A_206 = arith.minimumf %min3A_204, %min3A_205 : vector<1024x2048xf32>
    %max3A_207 = vector.broadcast %slice3A_176 : vector<1024x1xf32> to vector<1024x2048xf32>
    %max3A_208 = vector.broadcast %get3A_191 : vector<1x2048xf32> to vector<1024x2048xf32>
    %max3A_209 = arith.maximumf %max3A_207, %max3A_208 : vector<1024x2048xf32>
    %sub3A_210 = arith.subf %min3A_206, %max3A_209 : vector<1024x2048xf32>
    %max3A_211 = arith.constant 0.000000e+00 : f32
    %max3A_212 = vector.broadcast %max3A_211 : f32 to vector<1024x2048xf32>
    %max3A_213 = arith.maximumf %sub3A_210, %max3A_212 : vector<1024x2048xf32>
    %min3A_214 = vector.broadcast %slice3A_179 : vector<1024x1xf32> to vector<1024x2048xf32>
    %min3A_215 = vector.broadcast %get3A_200 : vector<1x2048xf32> to vector<1024x2048xf32>
    %min3A_216 = arith.minimumf %min3A_214, %min3A_215 : vector<1024x2048xf32>
    %max3A_217 = vector.broadcast %slice3A_178 : vector<1024x1xf32> to vector<1024x2048xf32>
    %max3A_218 = vector.broadcast %get3A_197 : vector<1x2048xf32> to vector<1024x2048xf32>
    %max3A_219 = arith.maximumf %max3A_217, %max3A_218 : vector<1024x2048xf32>
    %sub3A_220 = arith.subf %min3A_216, %max3A_219 : vector<1024x2048xf32>
    %max3A_221 = arith.constant 0.000000e+00 : f32
    %max3A_222 = vector.broadcast %max3A_221 : f32 to vector<1024x2048xf32>
    %max3A_223 = arith.maximumf %sub3A_220, %max3A_222 : vector<1024x2048xf32>
    %mul3A_224 = arith.mulf %max3A_213, %max3A_223 : vector<1024x2048xf32>
    %add3A_225 = vector.broadcast %slice3A_180 : vector<1024x1xf32> to vector<1024x2048xf32>
    %add3A_226 = vector.broadcast %get3A_203 : vector<1x2048xf32> to vector<1024x2048xf32>
    %add3A_227 = arith.addf %add3A_225, %add3A_226 : vector<1024x2048xf32>
    %sub3A_228 = arith.subf %add3A_227, %mul3A_224 : vector<1024x2048xf32>
    %max3A_229 = arith.constant 9.99999997E-7 : f32
    %max3A_230 = vector.broadcast %max3A_229 : f32 to vector<1024x2048xf32>
    %max3A_231 = arith.maximumf %sub3A_228, %max3A_230 : vector<1024x2048xf32>
    %div3A_232 = arith.divf %mul3A_224, %max3A_231 : vector<1024x2048xf32>
    %gt3A_233 = arith.constant 5.000000e-01 : f32
    %gt3A_234 = vector.broadcast %gt3A_233 : f32 to vector<1024x2048xf32>
    %gt3A_235 = arith.cmpf ogt, %div3A_232, %gt3A_234 : vector<1024x2048xf32>
    %lt3A_236 = vector.broadcast %add3A_184 : vector<1024x1xi32> to vector<1024x2048xi32>
    %lt3A_237 = vector.broadcast %add3A_188 : vector<1x2048xi32> to vector<1024x2048xi32>
    %lt3A_238 = arith.cmpi slt, %lt3A_236, %lt3A_237 : vector<1024x2048xi32>
    %and3A_239 = arith.andi %gt3A_235, %lt3A_238 : vector<1024x2048xi1>
    %convert_element_type3A_240 = arith.extui %and3A_239 : vector<1024x2048xi1> to vector<1024x2048xi32>
    %convert_element_type3A_241 = arith.sitofp %convert_element_type3A_240 : vector<1024x2048xi32> to vector<1024x2048xf32>
    %slice3A_242 = vector.extract_strided_slice %convert_element_type3A_241 {offsets = [0, 0], sizes = [1024, 1024], strides = [1, 1]} : vector<1024x2048xf32> to vector<1024x1024xf32>
    %get3A_243 = arith.constant 0 : index
    %get3A_244 = arith.constant 2048 : index
    %get3A_245 = vector.load %arg4[%get3A_243, %get3A_244] : memref<1x4096xf32, #tpu.memory_space<vmem>>, vector<1x1024xf32>
    %while3A_246 = arith.constant true
    %while3A_247:2 = scf.while (%while3A_359 = %get3A_245, %while3A_360 = %while3A_246) : (vector<1x1024xf32>, i1) -> (vector<1x1024xf32>, i1) {
      scf.condition(%while3A_360) %while3A_359, %while3A_360 : vector<1x1024xf32>, i1
    } do {
    ^bb0(%while3A_359: vector<1x1024xf32>, %while3A_360: i1):
      %dot_general3A_361 = arith.constant dense<0.000000e+00> : vector<1x1024xf32>
      %dot_general3A_362 = tpu.matmul %while3A_359, %slice3A_242, %dot_general3A_361 {dimension_numbers = #tpu.dot_dimension_numbers<[1], [0], [0], [1], [0, 0, 1, 1], [], []>, transpose_lhs_hint = false} : vector<1x1024xf32>, vector<1024x1024xf32>, vector<1x1024xf32> -> vector<1x1024xf32>
      %lt3A_363 = arith.constant 5.000000e-01 : f32
      %lt3A_364 = vector.broadcast %lt3A_363 : f32 to vector<1x1024xf32>
      %lt3A_365 = arith.cmpf olt, %dot_general3A_362, %lt3A_364 : vector<1x1024xf32>
      %convert_element_type3A_366 = arith.extui %lt3A_365 : vector<1x1024xi1> to vector<1x1024xi32>
      %convert_element_type3A_367 = arith.sitofp %convert_element_type3A_366 : vector<1x1024xi32> to vector<1x1024xf32>
      %mul3A_368 = arith.mulf %get3A_245, %convert_element_type3A_367 : vector<1x1024xf32>
      %ne3A = arith.cmpf one, %mul3A_368, %while3A_359 : vector<1x1024xf32>
      %reduce_or3A = arith.constant 1.000000e+00 : f32
      %reduce_or3A_369 = arith.constant 0.000000e+00 : f32
      %reduce_or3A_370 = vector.broadcast %reduce_or3A : f32 to vector<1x1024xf32>
      %reduce_or3A_371 = vector.broadcast %reduce_or3A_369 : f32 to vector<1x1024xf32>
      %reduce_or3A_372 = arith.select %ne3A, %reduce_or3A_370, %reduce_or3A_371 : vector<1x1024xi1>, vector<1x1024xf32>
      %reduce_or3A_373 = vector.shape_cast %reduce_or3A_372 : vector<1x1024xf32> to vector<1x1x1024xf32>
      %reduce_or3A_374 = arith.constant dense<0xFF800000> : vector<1xf32>
      %reduce_or3A_375 = vector.multi_reduction <maximumf>, %reduce_or3A_373, %reduce_or3A_374 [1, 2] : vector<1x1x1024xf32> to vector<1xf32>
      %reduce_or3A_376 = vector.shape_cast %reduce_or3A_375 : vector<1xf32> to vector<1x1x1xf32>
      %reduce_or3A_377 = vector.extract %reduce_or3A_376[0, 0, 0] : f32 from vector<1x1x1xf32>
      %reduce_or3A_378 = arith.constant 0.000000e+00 : f32
      %reduce_or3A_379 = arith.cmpf ogt, %reduce_or3A_377, %reduce_or3A_378 : f32
      scf.yield %mul3A_368, %reduce_or3A_379 : vector<1x1024xf32>, i1
    }
    %dot_general3A_248 = arith.constant dense<0.000000e+00> : vector<1x2048xf32>
    %dot_general3A_249 = tpu.matmul %while3A_247#0, %convert_element_type3A_241, %dot_general3A_248 {dimension_numbers = #tpu.dot_dimension_numbers<[1], [0], [0], [1], [0, 0, 1, 1], [], []>, transpose_lhs_hint = false} : vector<1x1024xf32>, vector<1024x2048xf32>, vector<1x2048xf32> -> vector<1x2048xf32>
    %get3A_250 = arith.constant 0 : index
    %get3A_251 = arith.constant 2048 : index
    %get3A_252 = vector.load %arg4[%get3A_250, %get3A_251] : memref<1x4096xf32, #tpu.memory_space<vmem>>, vector<1x2048xf32>
    %lt3A_253 = arith.constant 5.000000e-01 : f32
    %lt3A_254 = vector.broadcast %lt3A_253 : f32 to vector<1x2048xf32>
    %lt3A_255 = arith.cmpf olt, %dot_general3A_249, %lt3A_254 : vector<1x2048xf32>
    %convert_element_type3A_256 = arith.extui %lt3A_255 : vector<1x2048xi1> to vector<1x2048xi32>
    %convert_element_type3A_257 = arith.sitofp %convert_element_type3A_256 : vector<1x2048xi32> to vector<1x2048xf32>
    %mul3A_258 = arith.mulf %get3A_252, %convert_element_type3A_257 : vector<1x2048xf32>
    %swap3A_259 = arith.constant 0 : index
    %swap3A_260 = arith.constant 2048 : index
    %swap3A_261 = vector.load %arg4[%swap3A_259, %swap3A_260] : memref<1x4096xf32, #tpu.memory_space<vmem>>, vector<1x2048xf32>
    tpu.vector_store %arg4[%swap3A_259, %swap3A_260], %mul3A_258 {strides = array<i32>} : memref<1x4096xf32, #tpu.memory_space<vmem>>, vector<1x2048xf32>,
    %get3A_262 = arith.constant 3072 : index
    %get3A_263 = arith.constant 0 : index
    %get3A_264 = vector.load %arg0[%get3A_262, %get3A_263] : memref<4096x8xf32, #tpu.memory_space<vmem>>, vector<1024x8xf32>
    %slice3A_265 = vector.extract_strided_slice %get3A_264 {offsets = [0, 0], sizes = [1024, 1], strides = [1, 1]} : vector<1024x8xf32> to vector<1024x1xf32>
    %slice3A_266 = vector.extract_strided_slice %get3A_264 {offsets = [0, 1], sizes = [1024, 1], strides = [1, 1]} : vector<1024x8xf32> to vector<1024x1xf32>
    %slice3A_267 = vector.extract_strided_slice %get3A_264 {offsets = [0, 2], sizes = [1024, 1], strides = [1, 1]} : vector<1024x8xf32> to vector<1024x1xf32>
    %slice3A_268 = vector.extract_strided_slice %get3A_264 {offsets = [0, 3], sizes = [1024, 1], strides = [1, 1]} : vector<1024x8xf32> to vector<1024x1xf32>
    %slice3A_269 = vector.extract_strided_slice %get3A_264 {offsets = [0, 4], sizes = [1024, 1], strides = [1, 1]} : vector<1024x8xf32> to vector<1024x1xf32>
    %iota3A_270 = tpu.iota {dimensions = array<i32: 0>} : vector<1024x1xi32>
    %add3A_271 = arith.constant 3072 : i32
    %add3A_272 = vector.broadcast %add3A_271 : i32 to vector<1024x1xi32>
    %add3A_273 = arith.addi %add3A_272, %iota3A_270 : vector<1024x1xi32>
    %iota3A_274 = tpu.iota {dimensions = array<i32: 1>} : vector<1x1024xi32>
    %add3A_275 = arith.constant 3072 : i32
    %add3A_276 = vector.broadcast %add3A_275 : i32 to vector<1x1024xi32>
    %add3A_277 = arith.addi %add3A_276, %iota3A_274 : vector<1x1024xi32>
    %get3A_278 = arith.constant 0 : index
    %get3A_279 = arith.constant 3072 : index
    %get3A_280 = vector.load %arg1[%get3A_278, %get3A_279] : memref<8x4096xf32, #tpu.memory_space<vmem>>, vector<1x1024xf32>
    %get3A_281 = arith.constant 1 : index
    %get3A_282 = arith.constant 3072 : index
    %get3A_283 = vector.load %arg1[%get3A_281, %get3A_282] : memref<8x4096xf32, #tpu.memory_space<vmem>>, vector<1x1024xf32>
    %get3A_284 = arith.constant 2 : index
    %get3A_285 = arith.constant 3072 : index
    %get3A_286 = vector.load %arg1[%get3A_284, %get3A_285] : memref<8x4096xf32, #tpu.memory_space<vmem>>, vector<1x1024xf32>
    %get3A_287 = arith.constant 3 : index
    %get3A_288 = arith.constant 3072 : index
    %get3A_289 = vector.load %arg1[%get3A_287, %get3A_288] : memref<8x4096xf32, #tpu.memory_space<vmem>>, vector<1x1024xf32>
    %get3A_290 = arith.constant 4 : index
    %get3A_291 = arith.constant 3072 : index
    %get3A_292 = vector.load %arg1[%get3A_290, %get3A_291] : memref<8x4096xf32, #tpu.memory_space<vmem>>, vector<1x1024xf32>
    %min3A_293 = vector.broadcast %slice3A_266 : vector<1024x1xf32> to vector<1024x1024xf32>
    %min3A_294 = vector.broadcast %get3A_283 : vector<1x1024xf32> to vector<1024x1024xf32>
    %min3A_295 = arith.minimumf %min3A_293, %min3A_294 : vector<1024x1024xf32>
    %max3A_296 = vector.broadcast %slice3A_265 : vector<1024x1xf32> to vector<1024x1024xf32>
    %max3A_297 = vector.broadcast %get3A_280 : vector<1x1024xf32> to vector<1024x1024xf32>
    %max3A_298 = arith.maximumf %max3A_296, %max3A_297 : vector<1024x1024xf32>
    %sub3A_299 = arith.subf %min3A_295, %max3A_298 : vector<1024x1024xf32>
    %max3A_300 = arith.constant 0.000000e+00 : f32
    %max3A_301 = vector.broadcast %max3A_300 : f32 to vector<1024x1024xf32>
    %max3A_302 = arith.maximumf %sub3A_299, %max3A_301 : vector<1024x1024xf32>
    %min3A_303 = vector.broadcast %slice3A_268 : vector<1024x1xf32> to vector<1024x1024xf32>
    %min3A_304 = vector.broadcast %get3A_289 : vector<1x1024xf32> to vector<1024x1024xf32>
    %min3A_305 = arith.minimumf %min3A_303, %min3A_304 : vector<1024x1024xf32>
    %max3A_306 = vector.broadcast %slice3A_267 : vector<1024x1xf32> to vector<1024x1024xf32>
    %max3A_307 = vector.broadcast %get3A_286 : vector<1x1024xf32> to vector<1024x1024xf32>
    %max3A_308 = arith.maximumf %max3A_306, %max3A_307 : vector<1024x1024xf32>
    %sub3A_309 = arith.subf %min3A_305, %max3A_308 : vector<1024x1024xf32>
    %max3A_310 = arith.constant 0.000000e+00 : f32
    %max3A_311 = vector.broadcast %max3A_310 : f32 to vector<1024x1024xf32>
    %max3A_312 = arith.maximumf %sub3A_309, %max3A_311 : vector<1024x1024xf32>
    %mul3A_313 = arith.mulf %max3A_302, %max3A_312 : vector<1024x1024xf32>
    %add3A_314 = vector.broadcast %slice3A_269 : vector<1024x1xf32> to vector<1024x1024xf32>
    %add3A_315 = vector.broadcast %get3A_292 : vector<1x1024xf32> to vector<1024x1024xf32>
    %add3A_316 = arith.addf %add3A_314, %add3A_315 : vector<1024x1024xf32>
    %sub3A_317 = arith.subf %add3A_316, %mul3A_313 : vector<1024x1024xf32>
    %max3A_318 = arith.constant 9.99999997E-7 : f32
    %max3A_319 = vector.broadcast %max3A_318 : f32 to vector<1024x1024xf32>
    %max3A_320 = arith.maximumf %sub3A_317, %max3A_319 : vector<1024x1024xf32>
    %div3A_321 = arith.divf %mul3A_313, %max3A_320 : vector<1024x1024xf32>
    %gt3A_322 = arith.constant 5.000000e-01 : f32
    %gt3A_323 = vector.broadcast %gt3A_322 : f32 to vector<1024x1024xf32>
    %gt3A_324 = arith.cmpf ogt, %div3A_321, %gt3A_323 : vector<1024x1024xf32>
    %lt3A_325 = vector.broadcast %add3A_273 : vector<1024x1xi32> to vector<1024x1024xi32>
    %lt3A_326 = vector.broadcast %add3A_277 : vector<1x1024xi32> to vector<1024x1024xi32>
    %lt3A_327 = arith.cmpi slt, %lt3A_325, %lt3A_326 : vector<1024x1024xi32>
    %and3A_328 = arith.andi %gt3A_324, %lt3A_327 : vector<1024x1024xi1>
    %convert_element_type3A_329 = arith.extui %and3A_328 : vector<1024x1024xi1> to vector<1024x1024xi32>
    %convert_element_type3A_330 = arith.sitofp %convert_element_type3A_329 : vector<1024x1024xi32> to vector<1024x1024xf32>
    %get3A_331 = arith.constant 0 : index
    %get3A_332 = arith.constant 3072 : index
    %get3A_333 = vector.load %arg4[%get3A_331, %get3A_332] : memref<1x4096xf32, #tpu.memory_space<vmem>>, vector<1x1024xf32>
    %while3A_334 = arith.constant true
    %while3A_335:2 = scf.while (%while3A_359 = %get3A_333, %while3A_360 = %while3A_334) : (vector<1x1024xf32>, i1) -> (vector<1x1024xf32>, i1) {
      scf.condition(%while3A_360) %while3A_359, %while3A_360 : vector<1x1024xf32>, i1
    } do {
    ^bb0(%while3A_359: vector<1x1024xf32>, %while3A_360: i1):
      %dot_general3A_361 = arith.constant dense<0.000000e+00> : vector<1x1024xf32>
      %dot_general3A_362 = tpu.matmul %while3A_359, %convert_element_type3A_330, %dot_general3A_361 {dimension_numbers = #tpu.dot_dimension_numbers<[1], [0], [0], [1], [0, 0, 1, 1], [], []>, transpose_lhs_hint = false} : vector<1x1024xf32>, vector<1024x1024xf32>, vector<1x1024xf32> -> vector<1x1024xf32>
      %lt3A_363 = arith.constant 5.000000e-01 : f32
      %lt3A_364 = vector.broadcast %lt3A_363 : f32 to vector<1x1024xf32>
      %lt3A_365 = arith.cmpf olt, %dot_general3A_362, %lt3A_364 : vector<1x1024xf32>
      %convert_element_type3A_366 = arith.extui %lt3A_365 : vector<1x1024xi1> to vector<1x1024xi32>
      %convert_element_type3A_367 = arith.sitofp %convert_element_type3A_366 : vector<1x1024xi32> to vector<1x1024xf32>
      %mul3A_368 = arith.mulf %get3A_333, %convert_element_type3A_367 : vector<1x1024xf32>
      %ne3A = arith.cmpf one, %mul3A_368, %while3A_359 : vector<1x1024xf32>
      %reduce_or3A = arith.constant 1.000000e+00 : f32
      %reduce_or3A_369 = arith.constant 0.000000e+00 : f32
      %reduce_or3A_370 = vector.broadcast %reduce_or3A : f32 to vector<1x1024xf32>
      %reduce_or3A_371 = vector.broadcast %reduce_or3A_369 : f32 to vector<1x1024xf32>
      %reduce_or3A_372 = arith.select %ne3A, %reduce_or3A_370, %reduce_or3A_371 : vector<1x1024xi1>, vector<1x1024xf32>
      %reduce_or3A_373 = vector.shape_cast %reduce_or3A_372 : vector<1x1024xf32> to vector<1x1x1024xf32>
      %reduce_or3A_374 = arith.constant dense<0xFF800000> : vector<1xf32>
      %reduce_or3A_375 = vector.multi_reduction <maximumf>, %reduce_or3A_373, %reduce_or3A_374 [1, 2] : vector<1x1x1024xf32> to vector<1xf32>
      %reduce_or3A_376 = vector.shape_cast %reduce_or3A_375 : vector<1xf32> to vector<1x1x1xf32>
      %reduce_or3A_377 = vector.extract %reduce_or3A_376[0, 0, 0] : f32 from vector<1x1x1xf32>
      %reduce_or3A_378 = arith.constant 0.000000e+00 : f32
      %reduce_or3A_379 = arith.cmpf ogt, %reduce_or3A_377, %reduce_or3A_378 : f32
      scf.yield %mul3A_368, %reduce_or3A_379 : vector<1x1024xf32>, i1
    }
    %dot_general3A_336 = arith.constant dense<0.000000e+00> : vector<1x1024xf32>
    %dot_general3A_337 = tpu.matmul %while3A_335#0, %convert_element_type3A_330, %dot_general3A_336 {dimension_numbers = #tpu.dot_dimension_numbers<[1], [0], [0], [1], [0, 0, 1, 1], [], []>, transpose_lhs_hint = false} : vector<1x1024xf32>, vector<1024x1024xf32>, vector<1x1024xf32> -> vector<1x1024xf32>
    %get3A_338 = arith.constant 0 : index
    %get3A_339 = arith.constant 3072 : index
    %get3A_340 = vector.load %arg4[%get3A_338, %get3A_339] : memref<1x4096xf32, #tpu.memory_space<vmem>>, vector<1x1024xf32>
    %lt3A_341 = arith.constant 5.000000e-01 : f32
    %lt3A_342 = vector.broadcast %lt3A_341 : f32 to vector<1x1024xf32>
    %lt3A_343 = arith.cmpf olt, %dot_general3A_337, %lt3A_342 : vector<1x1024xf32>
    %convert_element_type3A_344 = arith.extui %lt3A_343 : vector<1x1024xi1> to vector<1x1024xi32>
    %convert_element_type3A_345 = arith.sitofp %convert_element_type3A_344 : vector<1x1024xi32> to vector<1x1024xf32>
    %mul3A_346 = arith.mulf %get3A_340, %convert_element_type3A_345 : vector<1x1024xf32>
    %swap3A_347 = arith.constant 0 : index
    %swap3A_348 = arith.constant 3072 : index
    %swap3A_349 = vector.load %arg4[%swap3A_347, %swap3A_348] : memref<1x4096xf32, #tpu.memory_space<vmem>>, vector<1x1024xf32>
    tpu.vector_store %arg4[%swap3A_347, %swap3A_348], %mul3A_346 {strides = array<i32>} : memref<1x4096xf32, #tpu.memory_space<vmem>>, vector<1x1024xf32>,
    %get3A_350 = arith.constant 0 : index
    %get3A_351 = arith.constant 0 : index
    %get3A_352 = vector.load %arg4[%get3A_350, %get3A_351] : memref<1x4096xf32, #tpu.memory_space<vmem>>, vector<1x4096xf32>
    %gt3A_353 = arith.constant 0.000000e+00 : f32
    %gt3A_354 = vector.broadcast %gt3A_353 : f32 to vector<1x4096xf32>
    %gt3A_355 = arith.cmpf ogt, %get3A_352, %gt3A_354 : vector<1x4096xf32>
    %jit3A = arith.constant -1.000000e+00 : f32
    %broadcast_in_dim3A = vector.broadcast %jit3A : f32 to vector<1x4096xf32>
    %select_n3A = arith.select %gt3A_355, %get3A_1, %broadcast_in_dim3A : vector<1x4096xi1>, vector<1x4096xf32>
    %swap3A_356 = arith.constant 0 : index
    %swap3A_357 = arith.constant 0 : index
    %swap3A_358 = vector.load %arg3[%swap3A_356, %swap3A_357] : memref<1x4096xf32, #tpu.memory_space<vmem>>, vector<1x4096xf32>
    tpu.vector_store %arg3[%swap3A_356, %swap3A_357], %select_n3A {strides = array<i32>} : memref<1x4096xf32, #tpu.memory_space<vmem>>, vector<1x4096xf32>,
    return
  }
}

</mosaic_0001>

<sc_bundles>
// kernel: gather_offload_async_start
scs
__scs_entry_jumppad:
0x0: {  	(pc) =	sbr.rel $0x88, $3  }
0x1: {  	(tag) =	ssettag $0x0;
	lr =	simm.s32 $0x1  }
0x2: {  	[smem:$0x3F9F] =	sst lr;
	_ =	strace $0xD0000000  }
0x3: {  	_ = 	snop  }
0x4: {  	_ = 	snop  }
0x5: {  	_ = 	snop  }
0x6: {  	_ = 	snop  }
0x7: {  	_ = 	snop  }
__scs_overlays_trampoline_lowered:
0x8: {  	[smem:$0x3FAE] =	sst s0  }
0x9: {  	[smem:$0x3FAF] =	sst s1  }
0xa: {  	[smem:$0x3FB0] =	sst s2  }
0xb: {  	[smem:$0x3FB1] =	sst s3  }
0xc: {  	[smem:$0x3FB2] =	sst s4  }
0xd: {  	[smem:$0x3FB3] =	sst s5  }
0xe: {  	[smem:$0x3FB4] =	sst s6  }
0xf: {  	[smem:$0x3FB5] =	sst s7  }
0x10: {  	[smem:$0x3FB6] =	sst s8  }
0x11: {  	[smem:$0x3FB7] =	sst s9;
	s0 =	simm.s32 @!p0 $0x0  }
0x12: {  	s1 =	sld [smem:$0x3F9D];
	s0 =	simm.s32 @p0 $0x1  }
0x13: {  	[smem:$0x3FB8] =	sst s0;
	s0 =	simm.s32 @!p1 $0x0  }
0x14: {  	s2 =	sld [smem:$0x3F9C];
	s0 =	simm.s32 @p1 $0x1  }
0x15: {  	[smem:$0x3FB9] =	sst s0;
	s0 =	simm.s32 @!p2 $0x0  }
0x16: {  	s3 =	sld [smem:$0x3FDB];
	s0 =	simm.s32 @p2 $0x1  }
0x17: {  	s4 =	simm.s32 $0x1BF5;
	[smem:$0x3FBB] =	sst s0  }
0x18: {  	s0 =	sld [smem:$0x3F9E];
	_ =	swait.ge [sflag:s4], $0x0  }
0x19: {  	s7 =	sld [smem:$0x3F9F]  }
0x1a: {  	s8 =	sadd.s32 $0xFFFFE003, lr  }
0x1b: {  	s9 =	sadd.s32 $0xFFFFFEF7, lr;
	s5 =	simm.s32 $0xFFFFFFFF;
	p2 =	slt.u32 s8, $0xFFFFF086  }
0x1c: {  	p1 =	slt.u32 s9, $0xF7A;
	s5 =	simm.s32 @!p2 $0x0  }
0x1d: {  	s5 =	simm.s32 @p1 $0x1;
	p0 =	seq.s32 s7, s2  }
0x1e: {  	s7 =	smul.u32 @!p0 $0xF7A, s2;
	p2 =	seq.s32 @!p0 s5, $0x0  }
0x1f: {  	s9 =	smul.u32 $0xF7A, s1;
	s8 =	simm.s32 @!p0 $0x1BF5;
	p2 =	por !p2, p0  }
0x20: {  	[sflag:s8] =	ssyncset.s32 @!p0 $0xFFFFF086;
	s6 =	sadd.s32 @!p0 s3, s7;
	s7 =	simm.s32 @!p0 $0x108  }
0x21: {  	s3 =	sadd.s32 s3, s9;
	s6 =	sadd.s32 @!p0 $0x88, s6;
	s7 =	simm.s32 @p2 $0x1082  }
0x22: {  	[simem:s7], [sflag:s8] =	dma.local @!p0 [hbm:s6], $0xF7A  }
0x23: {  	s9 =	sor.u32 $0xD0000000, s2;
	s6 =	simm.s32 $0x108;
	_ =	swait.ge @!p0 [sflag:s8], $0x0  }
0x24: {  	s3 =	sadd.s32 $0x88, s3;
	s6 =	simm.s32 @!p1 $0x1082;
	[sflag:s4] =	ssyncset.s32 $0xFFFFF086  }
0x25: {  	[simem:s6], [sflag:s4] =	dma.local [hbm:s3], $0xF7A  }
0x26: {  	[smem:$0x3F9F] =	sst s1;
	(tag) =	ssettag s2;
	_ =	strace s9  }
0x27: {  	s1 =	sld [smem:$0x3FAF]  }
0x28: {  	s2 =	sld [smem:$0x3FB0]  }
0x29: {  	s4 =	sld [smem:$0x3FB2]  }
0x2a: {  	p0 =	seq.s32 s5, $0x0;
	s5 =	sld [smem:$0x3FB3]  }
0x2b: {  	s6 =	sld [smem:$0x3FB4]  }
0x2c: {  	s7 =	sld [smem:$0x3FB5]  }
0x2d: {  	s3 =	simm.s32 $0x108;
	s8 =	sld [smem:$0x3FB6]  }
0x2e: {  	s3 =	simm.s32 @!p0 $0x1082;
	s9 =	sld [smem:$0x3FB7]  }
0x2f: {  	lr =	sadd.s32 s0, s3;
	s0 =	sld [smem:$0x3FAE]  }
0x30: {  	s3 =	sld [smem:$0x3FB1]  }
0x31: {  	[smem:$0x3FBA] =	sst s10  }
0x32: {  	s10 =	sld [smem:$0x3FB8];
	_ =	sdelay $0x3  }
0x33: {  	p0 =	seq.s32 s10, $0x1;
	s10 =	sld [smem:$0x3FBA];
	_ =	sdelay $0x3  }
0x34: {  	[smem:$0x3FBA] =	sst s10  }
0x35: {  	s10 =	sld [smem:$0x3FB9];
	_ =	sdelay $0x3  }
0x36: {  	p1 =	seq.s32 s10, $0x1;
	s10 =	sld [smem:$0x3FBA];
	_ =	sdelay $0x3  }
0x37: {  	[smem:$0x3FBA] =	sst s10  }
0x38: {  	s10 =	sld [smem:$0x3FBB]  }
0x39: {  	_ = 	snop;
	(pc) =	sbr.ind lr, $3  }
0x3a: {  	_ = 	snop  }
0x3b: {  	_ = 	snop  }
0x3c: {  	p2 =	seq.s32 s10, $0x1;
	s10 =	sld [smem:$0x3FBA]  }
0x3d: {  	_ =	shalt  }
0x3e: {  	_ =	shalt  }
0x3f: {  	_ =	shalt  }
0x40: {  	_ =	shalt  }
0x41: {  	_ =	shalt  }
0x42: {  	_ =	shalt  }
0x43: {  	_ =	shalt  }
0x44: {  	_ =	shalt  }
0x45: {  	_ =	shalt  }
0x46: {  	_ =	shalt  }
0x47: {  	_ =	shalt  }
0x48: {  	_ =	shalt  }
0x49: {  	_ =	shalt  }
0x4a: {  	_ =	shalt  }
0x4b: {  	_ =	shalt  }
0x4c: {  	_ =	shalt  }
0x4d: {  	_ =	shalt  }
0x4e: {  	_ =	shalt  }
0x4f: {  	_ =	shalt  }
0x50: {  	_ =	shalt  }
0x51: {  	_ =	shalt  }
0x52: {  	_ =	shalt  }
0x53: {  	_ =	shalt  }
0x54: {  	_ =	shalt  }
0x55: {  	_ =	shalt  }
0x56: {  	_ =	shalt  }
0x57: {  	_ =	shalt  }
0x58: {  	_ =	shalt  }
0x59: {  	_ =	shalt  }
0x5a: {  	_ =	shalt  }
0x5b: {  	_ =	shalt  }
0x5c: {  	_ =	shalt  }
0x5d: {  	_ =	shalt  }
0x5e: {  	_ =	shalt  }
0x5f: {  	_ =	shalt  }
0x60: {  	_ =	shalt  }
0x61: {  	_ =	shalt  }
0x62: {  	_ =	shalt  }
0x63: {  	_ =	shalt  }
0x64: {  	_ =	shalt  }
0x65: {  	_ =	shalt  }
0x66: {  	_ =	shalt  }
0x67: {  	_ =	shalt  }
0x68: {  	_ =	shalt  }
0x69: {  	_ =	shalt  }
0x6a: {  	_ =	shalt  }
0x6b: {  	_ =	shalt  }
0x6c: {  	_ =	shalt  }
0x6d: {  	_ =	shalt  }
0x6e: {  	_ =	shalt  }
0x6f: {  	_ =	shalt  }
0x70: {  	_ =	shalt  }
0x71: {  	_ =	shalt  }
0x72: {  	_ =	shalt  }
0x73: {  	_ =	shalt  }
0x74: {  	_ =	shalt  }
0x75: {  	_ =	shalt  }
0x76: {  	_ =	shalt  }
0x77: {  	_ =	shalt  }
0x78: {  	_ =	shalt  }
0x79: {  	_ =	shalt  }
0x7a: {  	_ =	shalt  }
0x7b: {  	_ =	shalt  }
0x7c: {  	_ =	shalt  }
0x7d: {  	_ =	shalt  }
0x7e: {  	_ =	shalt  }
0x7f: {  	_ =	shalt  }
0x80: {  	_ =	shalt  }
0x81: {  	_ =	shalt  }
0x82: {  	_ =	shalt  }
0x83: {  	_ =	shalt  }
0x84: {  	_ =	shalt  }
0x85: {  	_ =	shalt  }
0x86: {  	_ =	shalt  }
0x87: {  	_ =	shalt  }
.Lfunc_end0:
.L_simem_size_0:
called_computation_lowered:
.L_overlay_start_0:
0x88: {  	s2 =	sld [smem:$0x3FD9]  }
0x89: {  	s3 =	sld [smem:$0x3FFE];
	_ =	sdelay $0x1  }
0x8a: {  	s1 =	srdreg.scid  }
0x8b: {  	s0 =	sand.u32 $0x1, s1  }
0x8c: {  	s17 =	sshll.u32 s0, $0xA;
	s2 =	sadd.s32 s3, s2  }
0x8d: {  	s2 =	sadd.s32 s2, s17  }
0x8e: {  	[smem:$0x3FC6] =	sst s2  }
0x8f: {  	_ = 	snop  }
0x90: {  	s2 =	sld [smem:$0x3FD0];
	(tm) =	ssettm $0x1  }
0x91: {  	s18 =	sld [smem:$0x3FFB];
	_ =	sdelay $0x3  }
0x92: {  	_ =	strace s18  }
0x93: {  	s3 =	sld [smem:$0x3FFC];
	_ =	sdelay $0x3  }
0x94: {  	_ =	strace s3  }
0x95: {  	s3 =	sld [smem:$0x3FFD];
	_ =	sdelay $0x3  }
0x96: {  	_ =	strace s3  }
0x97: {  	_ =	strace $0x8FFFFFFF  }
0x98: {  	s19 =	sld [smem:$0x3FDB];
	_ =	sdelay $0x1  }
0x99: {  	s4 =	simm.s32 $_scs_section_size  }
0x9a: {  	s5 =	simm.s32 $_size__tile_overlayer_lowered;
	s6 =	simm.s32 $_tile_overlayer_lowered  }
0x9b: {  	s22 =	simm.s32 $0x1BFF;
	s21 =	sshll.u32 s6, $0x1;
	s3 =	sadd.s32 s4, s19  }
0x9c: {  	s7 =	simm.s32 $0x0;
	s20 =	sshll.u32 s5, $0x1;
	s5 =	sadd.s32 s21, s3  }
0x9d: {  	[timem:s7], [sflag:s22] =	dma.local [hbm:s5], s20  }
0x9e: {  	_ =	swait.ge [sflag:s22], s20  }
0x9f: {  	s4 =	ssub.s32 $0x0, s20;
	[sflag:s22] =	ssyncset.done $0x0  }
0xa0: {  	[sflag:s22] =	ssyncadd.s32 s4;
	_ =	sdelay $0x1  }
0xa1: {  	s23 =	simm.s32 $0x1B8B  }
0xa2: {  	_ =	swait.ge [sflag:s23], $0x1  }
0xa3: {  	[sflag:s23] =	ssyncset.done $0x0  }
0xa4: {  	s25 =	simm.s32 $0x1B8E;
	s24 =	sld [smem:$0x3FFE];
	[sflag:s23] =	ssyncadd.s32 $0xFFFFFFFF  }
0xa5: {  	s26 =	simm.s32 $execute0_lowered;
	[smem:$0x3FD2] =	sst s25  }
0xa6: {  	s5 =	sshll.u32 s26, $0x1;
	_ =	strace $0x80000046;
	[dreg:$0x1] =	wrdreg $0xFFFFFFFF  }
0xa7: {  	s28 =	simm.s32 $_size_execute0_lowered;
	s3 =	sadd.s32 s3, s5;
	[dreg:$0x0] =	wrdreg $0x0  }
0xa8: {  	s5 =	sshll.u32 s28, $0x1;
	[dreg:$0x2] =	wrdreg s3  }
0xa9: {  	[dreg:$0x3] =	wrdreg s5  }
0xaa: {  	[dreg:$0x4] =	wrdreg $0xC0  }
0xab: {  	_ =	task [dreg:s7], $0x5FFFF  }
0xac: {  	[dreg:$0x1] =	wrdreg $0xFFFFFFFF  }
0xad: {  	[dreg:$0x0] =	wrdreg $0x60  }
0xae: {  	[dreg:$0x2] =	wrdreg s24  }
0xaf: {  	[dreg:$0x3] =	wrdreg s2  }
0xb0: {  	[dreg:$0x4] =	wrdreg $0x9  }
0xb1: {  	_ =	task.clear_ibuf [dreg:s7], $0x5FFFF;
	_ =	strace $0x90000046  }
0xb2: {  	s29 =	simm.s32 $0x9;
	_ =	strace $0x80000048  }
0xb3: {  	_ =	swait.ge [sflag:s29], $0x1  }
0xb4: {  	[sflag:s29] =	ssyncadd.s32 $0xFFFFFFFF  }
0xb5: {  	_ =	strace $0x90000048  }
0xb6: {  	_ =	sfence  }
0xb7: {  	s30 =	sld [smem:$0x0];
	_ =	sdelay $0x2  }
0xb8: {  	s31 =	sshll.u32 s1, $0xD;
	s1 =	sshrl.u32 s1, $0x2  }
0xb9: {  	s3 =	sand.u32 $0x4000, s31;
	s1 =	sadd.s32 s1, s30  }
0xba: {  	s0 =	sor.u32 s3, s0;
	s1 =	sshll.u32 s1, $0x11  }
0xbb: {  	s0 =	sor.u32 s1, s0  }
0xbc: {  	s0 =	sadd.s32 $0x8F2B, s0  }
0xbd: {  	[sflag:s0] =	ssyncadd.remote.s32 $0x1  }
0xbe: {  	_ =	sfence.sel $0xFFFF  }
0xbf: {  	[dreg:$0x0] =	wrdreg $0xFFFFFFFF;
	(pc) =	sbr.abs _section_cstart, $3  }
0xc0: {  	[dreg:$0x1] =	wrdreg $0xFFFFFFFF  }
0xc1: {  	_ =	task.clear_ibuf [dreg:s7], $0x2FFFF;
	_ =	strace $0x9FFFFFFF  }
0xc2: {  	(tm) =	ssettm $0x7FFFFFFF  }
0xc3: {  	_ =	shalt  }
tec
execute0_lowered:
.L_overlay_start_1:
0x0: {  	(tag) =	ssettag $0x1  }
0x1: {  	s2 =	rddreg [dreg:$0x0]  }
0x2: {  	s3 =	rddreg [dreg:$0x1]  }
0x3: {  	s0 =	rddreg [dreg:$0x2];
	s1 =	srdreg.scid;
	_ =	strace $0x80000047  }
0x4: {  	s4 =	simm.s32 $0x1;
	s9 =	simm.s32 $0x3;
	s5 =	sshll.u32 s1, $0x4  }
.Ltmp0:
0x5: {  	s1 =	stileid.u32;
	s5 =	sand.u32 $0x10, s5;
	(pc) =	sbr.rel .LBB2_1-.Ltmp0, $4  }
0x6: {  	s12 =	simm.s32 $0x0;
	s10 =	simm.s32 $0x0;
	s6 =	sor.u32 s1, s5  }
0x7: {  	[sflag:s4] =	ssyncpa.u1 $0x0;
	s5 =	simm.s32 $0x2;
	s6 =	sshll.u32 s6, $0x7  }
0x8: {  	s7 =	sadd.s32 $0x4E200, s2;
	[sflag:s5] =	ssyncpa.u1 $0x0;
	s8 =	sadd.s32 $0x80, s6  }
0x9: {  	vm0 =	vmmov $0xff;
	vm1 =	vcmask $0x3F20;
	[sflag:s9] =	ssyncpa.u1 $0x0;
	s9 =	simm.s32 $0x80;
	s11 =	smov.u32 s6  }
.LBB2_9:
0xa: {  	p0 =	seq.s32 s10, $0x2  }
.Ltmp1:
0xb: {  	_ = 	snop;
	(pc) =	sbr.rel @p0 .LBB2_11-.Ltmp1, $1  }
0xc: {  	_ =	sdelay $0x3  }
.LBB2_10:
0xd: {  	s12 =	sadd.s32 $0x80, s11  }
0xe: {  	s13 =	smov.u32 s6;
	p0 =	slt.s32 s12, s8  }
0xf: {  	s13 =	smov.u32 @p0 s12  }
0x10: {  	s10 =	sadd.s32 $0x1, s10;
	s12 =	smov.u32 s11;
	s11 =	smov.u32 s13  }
.LBB2_1:
0x11: {  	p0 =	sne.s32 s10, $0x0  }
.Ltmp2:
0x12: {  	_ = 	snop;
	(pc) =	sbr.rel @!p0 .LBB2_2-.Ltmp2, $1  }
0x13: {  	_ =	sdelay $0x3  }
0x14: {  	s13 =	sand.u32 $0x1, s10  }
0x15: {  	p0 =	seq.s32 s13, $0x0  }
.Ltmp3:
0x16: {  	_ = 	snop;
	(pc) =	sbr.rel @p0 .LBB2_9-.Ltmp3, $1  }
0x17: {  	_ =	sdelay $0x3  }
0x18: {  	_ =	swait.ge [sflag:s5], $0x80  }
0x19: {  	[sflag:s5] =	ssyncset.done $0x0  }
0x1a: {  	s13 =	simm.s32 $0x0;
	[sflag:s5] =	ssyncadd.s32 $0xFFFFFF80  }
0x1b: {  	v0 =	vld.msk [tilespmem:s13+$0x80 ss:$0x1], $0xffff;
	_ =	sdelay $0x4  }
0x1c: {  	vm2 =	vgt.s32 v0, $0x0  }
0x1d: {  	v0 =	vnsel vm2, $0x0, v0  }
0x1e: {  	v0 =	vmin.u32 v0, $0x4E1F  }
0x1f: {  	v0 =	vshll.u32 v0, $0x4;
	_ =	sdelay $0x3  }
0x20: {  	s13 =	simm.s32 $0x4100  }
0x21: {  	[tilespmem:s13], [sflag:$0x1] =	stream.indirect_vreg.gather [hbm:s2], $0x80, v0, vm0, $0x38;
	[tilespmem:$0x8100] =	vst v63  }
0x22: {  	s14 =	simm.s32 $0x4500;
	s31 =	simm.s32 $0x10  }
0x23: {  	[tilespmem:s14], [sflag:$0x1] =	stream.indirect_vreg.gather [hbm:s2], $0x80, v0, vm1, $0x38;
	[tilespmem:$0x8100] =	vst v63  }
0x24: {  	s14 =	simm.s32 $0x80;
	v0 =	vld.msk [tilespmem:s31+$0x80 ss:$0x1], $0xffff  }
.LBB2_5:
0x25: {  	p0 =	sne.s32 s14, $0x1C0;
	_ =	sdelay $0x4  }
0x26: {  	vm2 =	vgt.s32 v0, $0x0  }
0x27: {  	v0 =	vnsel vm2, $0x0, v0  }
0x28: {  	v0 =	vmin.u32 v0, $0x4E1F  }
0x29: {  	v0 =	vshll.u32 v0, $0x4;
	_ =	sdelay $0x3  }
.Ltmp4:
0x2a: {  	s13 =	sadd.s32 $0x800, s13;
	(pc) =	sbr.rel @p0 .LBB2_5-.Ltmp4, $4  }
0x2b: {  	[tilespmem:s13], [sflag:$0x1] =	stream.indirect_vreg.gather [hbm:s2], $0x80, v0, vm0, $0x38;
	[tilespmem:$0x8100] =	vst v63  }
0x2c: {  	s15 =	sshra.s32 s14, $0x2;
	s16 =	sadd.s32 $0x400, s13  }
0x2d: {  	[tilespmem:s16], [sflag:$0x1] =	stream.indirect_vreg.gather [hbm:s2], $0x80, v0, vm1, $0x38;
	[tilespmem:$0x8100] =	vst v63  }
0x2e: {  	s14 =	sadd.s32 $0x40, s14;
	v0 =	vld.msk [tilespmem:s15+$0x80 ss:$0x1], $0xffff  }
0x2f: {  	_ =	sdelay $0x3  }
0x30: {  	vm2 =	vgt.s32 v0, $0x0  }
0x31: {  	v0 =	vnsel vm2, $0x0, v0  }
0x32: {  	v0 =	vmin.u32 v0, $0x4E1F  }
0x33: {  	v0 =	vshll.u32 v0, $0x4;
	_ =	sdelay $0x3  }
0x34: {  	s13 =	sadd.s32 $0x800, s13  }
0x35: {  	[tilespmem:s13], [sflag:$0x1] =	stream.indirect_vreg.gather [hbm:s2], $0x80, v0, vm0, $0x38;
	[tilespmem:$0x8100] =	vst v63  }
0x36: {  	s13 =	sadd.s32 $0x400, s13  }
0x37: {  	[tilespmem:s13], [sflag:$0x1] =	stream.indirect_vreg.gather [hbm:s2], $0x80, v0, vm1, $0x38;
	[tilespmem:$0x8100] =	vst v63  }
0x38: {  	s12 =	sshll.u32 s12, $0x4;
	s14 =	simm.s32 $0x80;
	_ =	swait.ge [sflag:s4], $0x4000  }
0x39: {  	s15 =	simm.s32 $0x4500;
	s12 =	sadd.s32 s12, s7;
	[sflag:s4] =	ssyncset.done $0x0  }
0x3a: {  	s16 =	sadd.s32 $0x0, s12;
	s13 =	simm.s32 $0x4100;
	[sflag:s4] =	ssyncadd.s32 $0xFFFFC000  }
.LBB2_7:
0x3b: {  	[hbm:s16] =	stream.linear.scatter [tilespmem:s13], [sflag:$0x3], $0x400, $0x38;
	[tilespmem:$0x8100] =	vst v63  }
0x3c: {  	s16 =	smov.u32 s14;
	s13 =	smov.u32 s15;
	p0 =	sne.s32 s14, $0x780  }
.Ltmp5:
0x3d: {  	s14 =	sadd.s32 $0x80, s14;
	(pc) =	sbr.rel @p0 .LBB2_7-.Ltmp5, $2  }
0x3e: {  	_ =	sdelay $0x2  }
0x3f: {  	s15 =	sadd.s32 $0x400, s15;
	s16 =	sadd.s32 s16, s12  }
.Ltmp6:
0x40: {  	(pc) =	sbr.rel .LBB2_9-.Ltmp6, $2  }
0x41: {  	_ =	sdelay $0x2  }
0x42: {  	[hbm:s16] =	stream.linear.scatter [tilespmem:s13], [sflag:$0x3], $0x400, $0x38;
	[tilespmem:$0x8100] =	vst v63  }
.LBB2_2:
.Ltmp7:
0x43: {  	(pc) =	sbr.rel .LBB2_10-.Ltmp7, $4  }
0x44: {  	_ = 	snop  }
0x45: {  	s12 =	sshrl.u32 s11, $0x3  }
0x46: {  	s13 =	sand.u32 $0x7, s11;
	s12 =	sadd.s32 s3, s12  }
0x47: {  	[tilespmem:s9], [sflag:$0x2] =	stream.linear.gather [hbm4b:s12+s13], $0x80, $0x38;
	[tilespmem:$0x8100] =	vst v63  }
.LBB2_11:
0x48: {  	s2 =	simm.s32 $0x3  }
0x49: {  	_ =	swait.ge [sflag:s2], $0x4000  }
0x4a: {  	[sflag:s2] =	ssyncset.done $0x0  }
0x4b: {  	[sflag:s2] =	ssyncadd.s32 $0xFFFFC000  }
0x4c: {  	_ =	sfence.sel $0x180000  }
0x4d: {  	s3 =	simm.s32 $0x2;
	[bflag:$0x0] =	sbarrier.arrive $0xFFFF  }
0x4e: {  	[sflag:s3] =	ssyncpa.u1 $0x1  }
0x4f: {  	s31 =	simm.s32 $0x1;
	[sflag:s2] =	ssyncpa.u1 $0x1  }
0x50: {  	[sflag:s31] =	ssyncpa.u1 $0x1  }
0x51: {  	p0 =	sne.s32 s1, $0x0;
	_ =	strace $0x90000047  }
0x52: {  	s0 =	sadd.s32 @!p0 $0x100000, s0;
	[bflag:$0x2] =	sbarrier.arrive $0xFFFF  }
0x53: {  	[sflag:s0] =	ssyncadd.tile.s32 @!p0 $0x1;
	_ =	shalt  }
.Lfunc_end2:
_tile_overlayer_lowered:
.L_overlay_start_2:
0x54: {  	(tag) =	ssettag $0x2  }
0x55: {  	s0 =	rddreg [dreg:$0x0];
	s2 =	stileid.u32  }
0x56: {  	s1 =	rddreg [dreg:$0x1];
	p0 =	sne.s32 s2, $0x0  }
0x57: {  	s3 =	rddreg [dreg:$0x2];
	[bflag:$0x3] =	sbarrier.arrive $0xFFFF;
	s2 =	simm.s32 @!p0 $0x1C01  }
0x58: {  	[timem:s3], [sflag:s2] =	dma.local @!p0 [hbm:s0], s1  }
0x59: {  	s0 =	simm.s32 @!p0 $0x1  }
0x5a: {  	_ =	swait.ge @!p0 [sflag:s0], s1  }
0x5b: {  	s1 =	ssub.s32 @!p0 $0x0, s1;
	[sflag:s0] =	ssyncset.done @!p0 $0x0  }
0x5c: {  	[sflag:s0] =	ssyncadd.s32 @!p0 s1  }
0x5d: {  	[bflag:$0x3] =	sbarrier.arrive $0xFFFF  }
0x5e: {  	_ =	shalt  }

</sc_bundles>
